<compile_context>
chip_gen: v7x
topology: tpu7x:2x2x1
jax: 0.10.2.dev20260603
libtpu: 0.0.44.dev20260713+nightly
codegen_flags: <defaults>
</compile_context>

<pallas_src>
import jax
import jax.numpy as jnp
from jax import lax
from jax.experimental import pallas as pl
from jax.experimental.pallas import tpu as pltpu
from jax.experimental.pallas import tpu_sc as plsc

NUM_LABELS = 81
ALPHA = 0.25
GAMMA = 2.0

SC_WORKERS = 25
ROWS_PER_WORKER = 80
NEG_BLOCK = 6000
ROW_CHUNK = 6000
N_CHUNKS = NEG_BLOCK // ROW_CHUNK


def _focal_t(logits_t, t):
    a = jnp.abs(logits_t)
    e = jnp.exp(-a)
    u = 1.0 + e
    r = 1.0 / u
    s = jnp.maximum(logits_t, 0.0) + jnp.log(u)
    nonneg = logits_t >= 0.0
    p = jnp.where(nonneg, r, 1.0 - r)
    ce = jnp.where(t > 0.0, s - logits_t, s)
    p_t = jnp.where(t > 0.0, p, 1.0 - p)
    alpha_t = jnp.where(t > 0.0, ALPHA, 1.0 - ALPHA)
    om = 1.0 - p_t
    return alpha_t * ce * om * om


def _sc_gather_body(qry_hbm, ids_hbm, tidx_hbm, tlab_hbm, feats_out, tgt_out,
                    idx_v, rows_v, tidx_v, ptgt_v, sem, sem2):
    wid = lax.axis_index("s") * 2 + lax.axis_index("c")

    @pl.when(wid < SC_WORKERS)
    def _():
        base = wid * ROWS_PER_WORKER
        pltpu.sync_copy(ids_hbm.at[pl.ds(base, ROWS_PER_WORKER)], idx_v)
        pltpu.sync_copy(tidx_hbm.at[pl.ds(base, ROWS_PER_WORKER)], tidx_v)
        k = ROWS_PER_WORKER // 5
        cps = [
            pltpu.async_copy(
                qry_hbm.at[idx_v.at[pl.ds(j * k, k)]],
                rows_v.at[pl.ds(j * k, k)], sem)
            for j in range(5)
        ]
        cp2 = pltpu.async_copy(tlab_hbm.at[tidx_v], ptgt_v, sem2)
        for cp in cps:
            cp.wait()
        cp2.wait()
        pltpu.sync_copy(rows_v, feats_out.at[pl.ds(base, ROWS_PER_WORKER)])
        pltpu.sync_copy(ptgt_v, tgt_out.at[pl.ds(base, ROWS_PER_WORKER)])


def _sc_gather(qry_feats, ids, tidx, tgt_labels):
    d = qry_feats.shape[1]
    num_pos = ids.shape[0]
    mesh = plsc.VectorSubcoreMesh(core_axis_name="c", subcore_axis_name="s")
    return pl.kernel(
        _sc_gather_body,
        out_type=[
            jax.ShapeDtypeStruct((num_pos, d), jnp.float32),
            jax.ShapeDtypeStruct((num_pos,), jnp.int32),
        ],
        mesh=mesh,
        scratch_types=[
            pltpu.VMEM((ROWS_PER_WORKER,), jnp.int32),
            pltpu.VMEM((ROWS_PER_WORKER, d), jnp.float32),
            pltpu.VMEM((ROWS_PER_WORKER,), jnp.int32),
            pltpu.VMEM((ROWS_PER_WORKER,), jnp.int32),
            pltpu.SemaphoreType.DMA,
            pltpu.SemaphoreType.DMA,
        ],
    )(qry_feats, ids, tidx, tgt_labels)


def _neg_body(*refs):
    x_refs = refs[:N_CHUNKS]
    w_ref, b_ref, ml_ref, out_ref = refs[N_CHUNKS:]

    @pl.when(pl.program_id(0) == 0)
    def _init():
        out_ref[0, 0] = 0.0

    wb = w_ref[...].astype(jnp.bfloat16)
    bg = NUM_LABELS - 1
    acc = jnp.zeros((), jnp.float32)
    for rr in range(N_CHUNKS):
        xx = x_refs[rr][...].astype(jnp.bfloat16)
        lt = (
            lax.dot_general(wb, xx, (((0,), (1,)), ((), ())),
                            preferred_element_type=jnp.float32)
            + b_ref[...])
        e = jnp.exp(-jnp.abs(lt))
        u = 1.0 + e
        r = 1.0 / u
        s = jnp.maximum(lt, 0.0) + jnp.log(u)
        p = jnp.where(lt >= 0.0, r, 1.0 - r)
        base = (1.0 - ALPHA) * s * p * p
        colsum = jnp.sum(base, axis=0, keepdims=True)
        s80 = s[bg:bg + 1, :]
        p80 = p[bg:bg + 1, :]
        om80 = 1.0 - p80
        corr = (ALPHA * (s80 - lt[bg:bg + 1, :]) * om80 * om80
                - base[bg:bg + 1, :])
        wm = (ml_ref[0, :, rr * ROW_CHUNK:(rr + 1) * ROW_CHUNK] == 0)
        acc += jnp.sum((colsum + corr) * wm.astype(jnp.float32))
    out_ref[0, 0] += acc


def _pos_body(xa_ref, xb_ref, w_ref, b_ref, tgt_ref, out_ref):
    d2 = w_ref.shape[0] // 2
    logits_t = (
        lax.dot_general(w_ref[0:d2, :], xa_ref[...], (((0,), (1,)), ((), ())),
                        preferred_element_type=jnp.float32)
        + lax.dot_general(w_ref[d2:, :], xb_ref[...], (((0,), (1,)), ((), ())),
                          preferred_element_type=jnp.float32)
        + b_ref[...])
    rows = lax.broadcasted_iota(jnp.int32, (NUM_LABELS, 1), 0)
    t = (rows == tgt_ref[...]).astype(jnp.float32)
    loss = _focal_t(logits_t, t)
    out_ref[0, 0] = jnp.sum(loss)


def kernel(qry_feats, W, b, match_labels, matched_qry_ids, matched_tgt_ids, tgt_labels):
    num_qrys, d = qry_feats.shape
    num_pos = matched_qry_ids.shape[0]

    pos_feats, pos_tgt = _sc_gather(
        qry_feats, matched_qry_ids, matched_tgt_ids, tgt_labels)

    b2 = b.reshape(NUM_LABELS, 1)
    grid = num_qrys // NEG_BLOCK
    ml3 = match_labels.reshape(grid, 1, NEG_BLOCK)

    x_specs = [
        pl.BlockSpec((ROW_CHUNK, d),
                     lambda i, rr=rr: (N_CHUNKS * i + rr, 0))
        for rr in range(N_CHUNKS)
    ]

    neg_sum = pl.pallas_call(
        _neg_body,
        grid=(grid,),
        in_specs=x_specs + [
            pl.BlockSpec((d, NUM_LABELS), lambda i: (0, 0)),
            pl.BlockSpec((NUM_LABELS, 1), lambda i: (0, 0)),
            pl.BlockSpec((1, 1, NEG_BLOCK), lambda i: (i, 0, 0)),
        ],
        out_specs=pl.BlockSpec((1, 1), lambda i: (0, 0), memory_space=pltpu.SMEM),
        out_shape=jax.ShapeDtypeStruct((1, 1), jnp.float32),
    )(*([qry_feats] * N_CHUNKS), W, b2, ml3)

    tgt2 = pos_tgt.reshape(1, num_pos)

    pos_sum = pl.pallas_call(
        _pos_body,
        grid=(1,),
        in_specs=[
            pl.BlockSpec((num_pos, d // 2), lambda i: (0, 0)),
            pl.BlockSpec((num_pos, d // 2), lambda i: (0, 1)),
            pl.BlockSpec((d, NUM_LABELS), lambda i: (0, 0)),
            pl.BlockSpec((NUM_LABELS, 1), lambda i: (0, 0)),
            pl.BlockSpec((1, num_pos), lambda i: (0, 0)),
        ],
        out_specs=pl.BlockSpec((1, 1), lambda i: (0, 0), memory_space=pltpu.SMEM),
        out_shape=jax.ShapeDtypeStruct((1, 1), jnp.float32),
    )(pos_feats, pos_feats, W, b2, tgt2)

    avg_factor = jnp.float32(max(num_pos, 1))
    return (neg_sum[0, 0] + pos_sum[0, 0]) / avg_factor

# --- scband reference (transcript-rebuilt; emitter-appended) ---
"""Pipeline reference for scband-base-cls-head-12257836663521 (READ-ONLY COPY).

The authoritative reference and input builder live on the scoring server;
editing this copy changes nothing except your own understanding.
"""

import jax, jax.numpy as jnp
import numpy as np

NUM_LABELS = 81
ALPHA = 0.25
GAMMA = 2.0


def setup_inputs(seed: int = 0) -> dict:
    key = jax.random.key(seed)
    k1, k2, k3, k4, k5, k6 = jax.random.split(key, 6)
    num_qrys, d, num_pos, num_tgts = 30000, 256, 2000, 2000
    qry_feats = jax.random.normal(k1, (num_qrys, d), dtype=jnp.float32)
    W = jax.random.normal(k2, (d, NUM_LABELS), dtype=jnp.float32) * 0.02
    b = jnp.zeros((NUM_LABELS,), dtype=jnp.float32)
    match_labels = jax.random.randint(k3, (num_qrys,), 0, 2)
    matched_qry_ids = jax.random.randint(k4, (num_pos,), 0, num_qrys)
    matched_tgt_ids = jax.random.randint(k5, (num_pos,), 0, num_tgts)
    tgt_labels = jax.random.randint(k6, (num_tgts,), 0, NUM_LABELS - 1)
    return {
        'qry_feats': qry_feats,
        'W': W,
        'b': b,
        'match_labels': match_labels,
        'matched_qry_ids': matched_qry_ids,
        'matched_tgt_ids': matched_tgt_ids,
        'tgt_labels': tgt_labels,
    }


def _sigmoid_focal_loss(logits, targets_oh):
    p = jax.nn.sigmoid(logits)
    # numerically stable BCE with logits
    ce = jnp.maximum(logits, 0.0) - logits * targets_oh + jnp.log1p(jnp.exp(-jnp.abs(logits)))
    p_t = p * targets_oh + (1.0 - p) * (1.0 - targets_oh)
    alpha_t = ALPHA * targets_oh + (1.0 - ALPHA) * (1.0 - targets_oh)
    return alpha_t * ce * (1.0 - p_t) ** GAMMA


def reference(qry_feats, W, b, match_labels, matched_qry_ids, matched_tgt_ids, tgt_labels):
    # forward_pred: logits module (Linear)
    cls_logits = qry_feats @ W + b
    num_labels = cls_logits.shape[1]
    # forward_loss: gather positives
    pos_cls_logits = cls_logits[matched_qry_ids]
    pos_cls_targets = tgt_labels[matched_tgt_ids]
    pos_cls_targets_oh = jax.nn.one_hot(pos_cls_targets, num_labels, dtype=cls_logits.dtype)
    # negatives (match_labels == 0): fixed-shape masked equivalent
    neg_mask = (match_labels == 0).astype(cls_logits.dtype)
    neg_cls_targets = jnp.full((cls_logits.shape[0],), num_labels - 1, dtype=jnp.int32)
    neg_cls_targets_oh = jax.nn.one_hot(neg_cls_targets, num_labels, dtype=cls_logits.dtype)
    logits_cat = jnp.concatenate([pos_cls_logits, cls_logits], axis=0)
    targets_oh = jnp.concatenate([pos_cls_targets_oh, neg_cls_targets_oh], axis=0)
    weights = jnp.concatenate(
        [jnp.ones((pos_cls_logits.shape[0],), dtype=cls_logits.dtype), neg_mask], axis=0
    )
    loss = _sigmoid_focal_loss(logits_cat, targets_oh) * weights[:, None]
    avg_factor = jnp.maximum(matched_qry_ids.shape[0], 1).astype(jnp.float32)
    cls_loss = jnp.sum(loss) / avg_factor
    return cls_loss

if __name__ == "__main__":
    import jax
    _d = setup_inputs()
    print(jax.jit(kernel)(*tuple(_d.values())))

</pallas_src>

<mosaic_0001>
#map = affine_map<(d0, d1) -> (0, 0)>
#map1 = affine_map<(d0, d1) -> (0)>
module attributes {stable_mosaic.version = 14 : i64} {
  func.func @_sc_gather_body(%arg0: i32, %arg1: i32, %arg2: memref<30000x256xf32, #tpu.memory_space<hbm>>, %arg3: memref<2000xi32, #tpu.memory_space<hbm>>, %arg4: memref<2000xi32, #tpu.memory_space<hbm>>, %arg5: memref<2000xi32, #tpu.memory_space<hbm>>, %arg6: memref<2000x256xf32, #tpu.memory_space<hbm>>, %arg7: memref<2000xi32, #tpu.memory_space<hbm>>, %arg8: memref<80xi32, #tpu.memory_space<vmem>>, %arg9: memref<80x256xf32, #tpu.memory_space<vmem>>, %arg10: memref<80xi32, #tpu.memory_space<vmem>>, %arg11: memref<80xi32, #tpu.memory_space<vmem>>, %arg12: memref<!tpu.dma_semaphore, #tpu.memory_space<semaphore_mem>>, %arg13: memref<!tpu.dma_semaphore, #tpu.memory_space<semaphore_mem>>) attributes {dimension_semantics = [#tpu.dimension_semantics<core_parallel>, #tpu.dimension_semantics<subcore_parallel>], iteration_bounds = array<i64: 2, 16>, scalar_prefetch = 0 : i64, scratch_operands = 6 : i64, tpu.core_type = #tpu.core_type<sc_vector_subcore>, window_params = [{transform_indices = #map}, {transform_indices = #map1}, {transform_indices = #map1}, {transform_indices = #map1}, {transform_indices = #map}, {transform_indices = #map1}]} {
    %mul3A = arith.constant 2 : i32
    %mul3A_0 = arith.muli %arg1, %mul3A : i32
    %add3A = arith.addi %mul3A_0, %arg0 : i32
    %lt3A = arith.constant 25 : i32
    %lt3A_1 = arith.cmpi slt, %add3A, %lt3A : i32
    %convert_element_type3A = arith.extui %lt3A_1 : i1 to i32
    %cond3A = arith.constant 0 : i32
    %cond3A_2 = arith.cmpi ne, %convert_element_type3A, %cond3A : i32
    scf.if %cond3A_2 {
      %mul3A_3 = arith.constant 80 : i32
      %mul3A_4 = arith.muli %add3A, %mul3A_3 : i32
      "tpu.region"() ({
        %run_scoped3A = tpu.sem_alloc : memref<!tpu.dma_semaphore, #tpu.memory_space<semaphore_mem>>
        %dma_start3A_87 = tpu.memref_slice %arg3[%mul3A_4] : memref<2000xi32, #tpu.memory_space<hbm>> -> memref<80xi32, #tpu.memory_space<hbm>>
        %dma_start3A_88 = tpu.memref_slice %arg3[%mul3A_4] : memref<2000xi32, #tpu.memory_space<hbm>> -> memref<80xi32, #tpu.memory_space<hbm>>
        tpu.enqueue_dma source(%dma_start3A_88 : memref<80xi32, #tpu.memory_space<hbm>>) target(%arg8 : memref<80xi32, #tpu.memory_space<vmem>>) target_semaphore(%run_scoped3A : memref<!tpu.dma_semaphore, #tpu.memory_space<semaphore_mem>>)
        %dma_wait3A_89 = tpu.memref_slice %arg3[%mul3A_4] : memref<2000xi32, #tpu.memory_space<hbm>> -> memref<80xi32, #tpu.memory_space<hbm>>
        %dma_wait3A_90 = tpu.memref_slice %arg3[%mul3A_4] : memref<2000xi32, #tpu.memory_space<hbm>> -> memref<80xi32, #tpu.memory_space<hbm>>
        tpu.wait_dma2 semaphore(%run_scoped3A : memref<!tpu.dma_semaphore, #tpu.memory_space<semaphore_mem>>) src(%dma_wait3A_90 : memref<80xi32, #tpu.memory_space<hbm>>) dst(%arg8 : memref<80xi32, #tpu.memory_space<vmem>>)
        tpu.yield
      }) : () -> ()
      "tpu.region"() ({
        %run_scoped3A = tpu.sem_alloc : memref<!tpu.dma_semaphore, #tpu.memory_space<semaphore_mem>>
        %dma_start3A_87 = tpu.memref_slice %arg4[%mul3A_4] : memref<2000xi32, #tpu.memory_space<hbm>> -> memref<80xi32, #tpu.memory_space<hbm>>
        %dma_start3A_88 = tpu.memref_slice %arg4[%mul3A_4] : memref<2000xi32, #tpu.memory_space<hbm>> -> memref<80xi32, #tpu.memory_space<hbm>>
        tpu.enqueue_dma source(%dma_start3A_88 : memref<80xi32, #tpu.memory_space<hbm>>) target(%arg10 : memref<80xi32, #tpu.memory_space<vmem>>) target_semaphore(%run_scoped3A : memref<!tpu.dma_semaphore, #tpu.memory_space<semaphore_mem>>)
        %dma_wait3A_89 = tpu.memref_slice %arg4[%mul3A_4] : memref<2000xi32, #tpu.memory_space<hbm>> -> memref<80xi32, #tpu.memory_space<hbm>>
        %dma_wait3A_90 = tpu.memref_slice %arg4[%mul3A_4] : memref<2000xi32, #tpu.memory_space<hbm>> -> memref<80xi32, #tpu.memory_space<hbm>>
        tpu.wait_dma2 semaphore(%run_scoped3A : memref<!tpu.dma_semaphore, #tpu.memory_space<semaphore_mem>>) src(%dma_wait3A_90 : memref<80xi32, #tpu.memory_space<hbm>>) dst(%arg10 : memref<80xi32, #tpu.memory_space<vmem>>)
        tpu.yield
      }) : () -> ()
      %dma_start3A = arith.constant 0 : i32
      %dma_start3A_5 = arith.constant 0 : i32
      %dma_start3A_6 = tpu.memref_slice %arg9[%dma_start3A, %dma_start3A_5] : memref<80x256xf32, #tpu.memory_space<vmem>> -> memref<16x256xf32, #tpu.memory_space<vmem>>
      %dma_start3A_7 = arith.constant 0 : i32
      %dma_start3A_8 = tpu.memref_slice %arg8[%dma_start3A_7] : memref<80xi32, #tpu.memory_space<vmem>> -> memref<16xi32, #tpu.memory_space<vmem>>
      %dma_start3A_9 = arith.constant 0 : i32
      %dma_start3A_10 = arith.constant 0 : i32
      %dma_start3A_11 = tpu.memref_slice %arg2[%dma_start3A_9, %dma_start3A_10] : memref<30000x256xf32, #tpu.memory_space<hbm>> -> memref<30000x256xf32, #tpu.memory_space<hbm>>
      tpu.enqueue_indirect_dma source(%dma_start3A_11 : memref<30000x256xf32, #tpu.memory_space<hbm>>) target(%dma_start3A_6 : memref<16x256xf32, #tpu.memory_space<vmem>>) offsets(%dma_start3A_8 : memref<16xi32, #tpu.memory_space<vmem>>) semaphore(%arg12 : memref<!tpu.dma_semaphore, #tpu.memory_space<semaphore_mem>>)
      %dma_start3A_12 = arith.constant 16 : i32
      %dma_start3A_13 = arith.constant 0 : i32
      %dma_start3A_14 = tpu.memref_slice %arg9[%dma_start3A_12, %dma_start3A_13] : memref<80x256xf32, #tpu.memory_space<vmem>> -> memref<16x256xf32, #tpu.memory_space<vmem>>
      %dma_start3A_15 = arith.constant 16 : i32
      %dma_start3A_16 = tpu.memref_slice %arg8[%dma_start3A_15] : memref<80xi32, #tpu.memory_space<vmem>> -> memref<16xi32, #tpu.memory_space<vmem>>
      %dma_start3A_17 = arith.constant 0 : i32
      %dma_start3A_18 = arith.constant 0 : i32
      %dma_start3A_19 = tpu.memref_slice %arg2[%dma_start3A_17, %dma_start3A_18] : memref<30000x256xf32, #tpu.memory_space<hbm>> -> memref<30000x256xf32, #tpu.memory_space<hbm>>
      tpu.enqueue_indirect_dma source(%dma_start3A_19 : memref<30000x256xf32, #tpu.memory_space<hbm>>) target(%dma_start3A_14 : memref<16x256xf32, #tpu.memory_space<vmem>>) offsets(%dma_start3A_16 : memref<16xi32, #tpu.memory_space<vmem>>) semaphore(%arg12 : memref<!tpu.dma_semaphore, #tpu.memory_space<semaphore_mem>>)
      %dma_start3A_20 = arith.constant 32 : i32
      %dma_start3A_21 = arith.constant 0 : i32
      %dma_start3A_22 = tpu.memref_slice %arg9[%dma_start3A_20, %dma_start3A_21] : memref<80x256xf32, #tpu.memory_space<vmem>> -> memref<16x256xf32, #tpu.memory_space<vmem>>
      %dma_start3A_23 = arith.constant 32 : i32
      %dma_start3A_24 = tpu.memref_slice %arg8[%dma_start3A_23] : memref<80xi32, #tpu.memory_space<vmem>> -> memref<16xi32, #tpu.memory_space<vmem>>
      %dma_start3A_25 = arith.constant 0 : i32
      %dma_start3A_26 = arith.constant 0 : i32
      %dma_start3A_27 = tpu.memref_slice %arg2[%dma_start3A_25, %dma_start3A_26] : memref<30000x256xf32, #tpu.memory_space<hbm>> -> memref<30000x256xf32, #tpu.memory_space<hbm>>
      tpu.enqueue_indirect_dma source(%dma_start3A_27 : memref<30000x256xf32, #tpu.memory_space<hbm>>) target(%dma_start3A_22 : memref<16x256xf32, #tpu.memory_space<vmem>>) offsets(%dma_start3A_24 : memref<16xi32, #tpu.memory_space<vmem>>) semaphore(%arg12 : memref<!tpu.dma_semaphore, #tpu.memory_space<semaphore_mem>>)
      %dma_start3A_28 = arith.constant 48 : i32
      %dma_start3A_29 = arith.constant 0 : i32
      %dma_start3A_30 = tpu.memref_slice %arg9[%dma_start3A_28, %dma_start3A_29] : memref<80x256xf32, #tpu.memory_space<vmem>> -> memref<16x256xf32, #tpu.memory_space<vmem>>
      %dma_start3A_31 = arith.constant 48 : i32
      %dma_start3A_32 = tpu.memref_slice %arg8[%dma_start3A_31] : memref<80xi32, #tpu.memory_space<vmem>> -> memref<16xi32, #tpu.memory_space<vmem>>
      %dma_start3A_33 = arith.constant 0 : i32
      %dma_start3A_34 = arith.constant 0 : i32
      %dma_start3A_35 = tpu.memref_slice %arg2[%dma_start3A_33, %dma_start3A_34] : memref<30000x256xf32, #tpu.memory_space<hbm>> -> memref<30000x256xf32, #tpu.memory_space<hbm>>
      tpu.enqueue_indirect_dma source(%dma_start3A_35 : memref<30000x256xf32, #tpu.memory_space<hbm>>) target(%dma_start3A_30 : memref<16x256xf32, #tpu.memory_space<vmem>>) offsets(%dma_start3A_32 : memref<16xi32, #tpu.memory_space<vmem>>) semaphore(%arg12 : memref<!tpu.dma_semaphore, #tpu.memory_space<semaphore_mem>>)
      %dma_start3A_36 = arith.constant 64 : i32
      %dma_start3A_37 = arith.constant 0 : i32
      %dma_start3A_38 = tpu.memref_slice %arg9[%dma_start3A_36, %dma_start3A_37] : memref<80x256xf32, #tpu.memory_space<vmem>> -> memref<16x256xf32, #tpu.memory_space<vmem>>
      %dma_start3A_39 = arith.constant 64 : i32
      %dma_start3A_40 = tpu.memref_slice %arg8[%dma_start3A_39] : memref<80xi32, #tpu.memory_space<vmem>> -> memref<16xi32, #tpu.memory_space<vmem>>
      %dma_start3A_41 = arith.constant 0 : i32
      %dma_start3A_42 = arith.constant 0 : i32
      %dma_start3A_43 = tpu.memref_slice %arg2[%dma_start3A_41, %dma_start3A_42] : memref<30000x256xf32, #tpu.memory_space<hbm>> -> memref<30000x256xf32, #tpu.memory_space<hbm>>
      tpu.enqueue_indirect_dma source(%dma_start3A_43 : memref<30000x256xf32, #tpu.memory_space<hbm>>) target(%dma_start3A_38 : memref<16x256xf32, #tpu.memory_space<vmem>>) offsets(%dma_start3A_40 : memref<16xi32, #tpu.memory_space<vmem>>) semaphore(%arg12 : memref<!tpu.dma_semaphore, #tpu.memory_space<semaphore_mem>>)
      %dma_start3A_44 = arith.constant 0 : i32
      %dma_start3A_45 = tpu.memref_slice %arg5[%dma_start3A_44] : memref<2000xi32, #tpu.memory_space<hbm>> -> memref<2000xi32, #tpu.memory_space<hbm>>
      tpu.enqueue_indirect_dma source(%dma_start3A_45 : memref<2000xi32, #tpu.memory_space<hbm>>) target(%arg11 : memref<80xi32, #tpu.memory_space<vmem>>) offsets(%arg10 : memref<80xi32, #tpu.memory_space<vmem>>) semaphore(%arg13 : memref<!tpu.dma_semaphore, #tpu.memory_space<semaphore_mem>>)
      %dma_wait3A = arith.constant 0 : i32
      %dma_wait3A_46 = arith.constant 0 : i32
      %dma_wait3A_47 = tpu.memref_slice %arg9[%dma_wait3A, %dma_wait3A_46] : memref<80x256xf32, #tpu.memory_space<vmem>> -> memref<16x256xf32, #tpu.memory_space<vmem>>
      %dma_wait3A_48 = arith.constant 0 : i32
      %dma_wait3A_49 = tpu.memref_slice %arg8[%dma_wait3A_48] : memref<80xi32, #tpu.memory_space<vmem>> -> memref<16xi32, #tpu.memory_space<vmem>>
      %dma_wait3A_50 = arith.constant 0 : i32
      %dma_wait3A_51 = arith.constant 0 : i32
      %dma_wait3A_52 = tpu.memref_slice %arg2[%dma_wait3A_50, %dma_wait3A_51] : memref<30000x256xf32, #tpu.memory_space<hbm>> -> memref<30000x256xf32, #tpu.memory_space<hbm>>
      tpu.wait_indirect_dma semaphore(%arg12 : memref<!tpu.dma_semaphore, #tpu.memory_space<semaphore_mem>>) src(%dma_wait3A_52 : memref<30000x256xf32, #tpu.memory_space<hbm>>) dst(%dma_wait3A_47 : memref<16x256xf32, #tpu.memory_space<vmem>>)
      %dma_wait3A_53 = arith.constant 16 : i32
      %dma_wait3A_54 = arith.constant 0 : i32
      %dma_wait3A_55 = tpu.memref_slice %arg9[%dma_wait3A_53, %dma_wait3A_54] : memref<80x256xf32, #tpu.memory_space<vmem>> -> memref<16x256xf32, #tpu.memory_space<vmem>>
      %dma_wait3A_56 = arith.constant 16 : i32
      %dma_wait3A_57 = tpu.memref_slice %arg8[%dma_wait3A_56] : memref<80xi32, #tpu.memory_space<vmem>> -> memref<16xi32, #tpu.memory_space<vmem>>
      %dma_wait3A_58 = arith.constant 0 : i32
      %dma_wait3A_59 = arith.constant 0 : i32
      %dma_wait3A_60 = tpu.memref_slice %arg2[%dma_wait3A_58, %dma_wait3A_59] : memref<30000x256xf32, #tpu.memory_space<hbm>> -> memref<30000x256xf32, #tpu.memory_space<hbm>>
      tpu.wait_indirect_dma semaphore(%arg12 : memref<!tpu.dma_semaphore, #tpu.memory_space<semaphore_mem>>) src(%dma_wait3A_60 : memref<30000x256xf32, #tpu.memory_space<hbm>>) dst(%dma_wait3A_55 : memref<16x256xf32, #tpu.memory_space<vmem>>)
      %dma_wait3A_61 = arith.constant 32 : i32
      %dma_wait3A_62 = arith.constant 0 : i32
      %dma_wait3A_63 = tpu.memref_slice %arg9[%dma_wait3A_61, %dma_wait3A_62] : memref<80x256xf32, #tpu.memory_space<vmem>> -> memref<16x256xf32, #tpu.memory_space<vmem>>
      %dma_wait3A_64 = arith.constant 32 : i32
      %dma_wait3A_65 = tpu.memref_slice %arg8[%dma_wait3A_64] : memref<80xi32, #tpu.memory_space<vmem>> -> memref<16xi32, #tpu.memory_space<vmem>>
      %dma_wait3A_66 = arith.constant 0 : i32
      %dma_wait3A_67 = arith.constant 0 : i32
      %dma_wait3A_68 = tpu.memref_slice %arg2[%dma_wait3A_66, %dma_wait3A_67] : memref<30000x256xf32, #tpu.memory_space<hbm>> -> memref<30000x256xf32, #tpu.memory_space<hbm>>
      tpu.wait_indirect_dma semaphore(%arg12 : memref<!tpu.dma_semaphore, #tpu.memory_space<semaphore_mem>>) src(%dma_wait3A_68 : memref<30000x256xf32, #tpu.memory_space<hbm>>) dst(%dma_wait3A_63 : memref<16x256xf32, #tpu.memory_space<vmem>>)
      %dma_wait3A_69 = arith.constant 48 : i32
      %dma_wait3A_70 = arith.constant 0 : i32
      %dma_wait3A_71 = tpu.memref_slice %arg9[%dma_wait3A_69, %dma_wait3A_70] : memref<80x256xf32, #tpu.memory_space<vmem>> -> memref<16x256xf32, #tpu.memory_space<vmem>>
      %dma_wait3A_72 = arith.constant 48 : i32
      %dma_wait3A_73 = tpu.memref_slice %arg8[%dma_wait3A_72] : memref<80xi32, #tpu.memory_space<vmem>> -> memref<16xi32, #tpu.memory_space<vmem>>
      %dma_wait3A_74 = arith.constant 0 : i32
      %dma_wait3A_75 = arith.constant 0 : i32
      %dma_wait3A_76 = tpu.memref_slice %arg2[%dma_wait3A_74, %dma_wait3A_75] : memref<30000x256xf32, #tpu.memory_space<hbm>> -> memref<30000x256xf32, #tpu.memory_space<hbm>>
      tpu.wait_indirect_dma semaphore(%arg12 : memref<!tpu.dma_semaphore, #tpu.memory_space<semaphore_mem>>) src(%dma_wait3A_76 : memref<30000x256xf32, #tpu.memory_space<hbm>>) dst(%dma_wait3A_71 : memref<16x256xf32, #tpu.memory_space<vmem>>)
      %dma_wait3A_77 = arith.constant 64 : i32
      %dma_wait3A_78 = arith.constant 0 : i32
      %dma_wait3A_79 = tpu.memref_slice %arg9[%dma_wait3A_77, %dma_wait3A_78] : memref<80x256xf32, #tpu.memory_space<vmem>> -> memref<16x256xf32, #tpu.memory_space<vmem>>
      %dma_wait3A_80 = arith.constant 64 : i32
      %dma_wait3A_81 = tpu.memref_slice %arg8[%dma_wait3A_80] : memref<80xi32, #tpu.memory_space<vmem>> -> memref<16xi32, #tpu.memory_space<vmem>>
      %dma_wait3A_82 = arith.constant 0 : i32
      %dma_wait3A_83 = arith.constant 0 : i32
      %dma_wait3A_84 = tpu.memref_slice %arg2[%dma_wait3A_82, %dma_wait3A_83] : memref<30000x256xf32, #tpu.memory_space<hbm>> -> memref<30000x256xf32, #tpu.memory_space<hbm>>
      tpu.wait_indirect_dma semaphore(%arg12 : memref<!tpu.dma_semaphore, #tpu.memory_space<semaphore_mem>>) src(%dma_wait3A_84 : memref<30000x256xf32, #tpu.memory_space<hbm>>) dst(%dma_wait3A_79 : memref<16x256xf32, #tpu.memory_space<vmem>>)
      %dma_wait3A_85 = arith.constant 0 : i32
      %dma_wait3A_86 = tpu.memref_slice %arg5[%dma_wait3A_85] : memref<2000xi32, #tpu.memory_space<hbm>> -> memref<2000xi32, #tpu.memory_space<hbm>>
      tpu.wait_indirect_dma semaphore(%arg13 : memref<!tpu.dma_semaphore, #tpu.memory_space<semaphore_mem>>) src(%dma_wait3A_86 : memref<2000xi32, #tpu.memory_space<hbm>>) dst(%arg11 : memref<80xi32, #tpu.memory_space<vmem>>)
      "tpu.region"() ({
        %run_scoped3A = tpu.sem_alloc : memref<!tpu.dma_semaphore, #tpu.memory_space<semaphore_mem>>
        %dma_start3A_87 = arith.constant 0 : i32
        %dma_start3A_88 = tpu.memref_slice %arg6[%mul3A_4, %dma_start3A_87] : memref<2000x256xf32, #tpu.memory_space<hbm>> -> memref<80x256xf32, #tpu.memory_space<hbm>>
        %dma_start3A_89 = arith.constant 0 : i32
        %dma_start3A_90 = tpu.memref_slice %arg6[%mul3A_4, %dma_start3A_89] : memref<2000x256xf32, #tpu.memory_space<hbm>> -> memref<80x256xf32, #tpu.memory_space<hbm>>
        tpu.enqueue_dma source(%arg9 : memref<80x256xf32, #tpu.memory_space<vmem>>) target(%dma_start3A_90 : memref<80x256xf32, #tpu.memory_space<hbm>>) target_semaphore(%run_scoped3A : memref<!tpu.dma_semaphore, #tpu.memory_space<semaphore_mem>>)
        %dma_wait3A_91 = arith.constant 0 : i32
        %dma_wait3A_92 = tpu.memref_slice %arg6[%mul3A_4, %dma_wait3A_91] : memref<2000x256xf32, #tpu.memory_space<hbm>> -> memref<80x256xf32, #tpu.memory_space<hbm>>
        %dma_wait3A_93 = arith.constant 0 : i32
        %dma_wait3A_94 = tpu.memref_slice %arg6[%mul3A_4, %dma_wait3A_93] : memref<2000x256xf32, #tpu.memory_space<hbm>> -> memref<80x256xf32, #tpu.memory_space<hbm>>
        tpu.wait_dma2 semaphore(%run_scoped3A : memref<!tpu.dma_semaphore, #tpu.memory_space<semaphore_mem>>) src(%arg9 : memref<80x256xf32, #tpu.memory_space<vmem>>) dst(%dma_wait3A_94 : memref<80x256xf32, #tpu.memory_space<hbm>>)
        tpu.yield
      }) : () -> ()
      "tpu.region"() ({
        %run_scoped3A = tpu.sem_alloc : memref<!tpu.dma_semaphore, #tpu.memory_space<semaphore_mem>>
        %dma_start3A_87 = tpu.memref_slice %arg7[%mul3A_4] : memref<2000xi32, #tpu.memory_space<hbm>> -> memref<80xi32, #tpu.memory_space<hbm>>
        %dma_start3A_88 = tpu.memref_slice %arg7[%mul3A_4] : memref<2000xi32, #tpu.memory_space<hbm>> -> memref<80xi32, #tpu.memory_space<hbm>>
        tpu.enqueue_dma source(%arg11 : memref<80xi32, #tpu.memory_space<vmem>>) target(%dma_start3A_88 : memref<80xi32, #tpu.memory_space<hbm>>) target_semaphore(%run_scoped3A : memref<!tpu.dma_semaphore, #tpu.memory_space<semaphore_mem>>)
        %dma_wait3A_89 = tpu.memref_slice %arg7[%mul3A_4] : memref<2000xi32, #tpu.memory_space<hbm>> -> memref<80xi32, #tpu.memory_space<hbm>>
        %dma_wait3A_90 = tpu.memref_slice %arg7[%mul3A_4] : memref<2000xi32, #tpu.memory_space<hbm>> -> memref<80xi32, #tpu.memory_space<hbm>>
        tpu.wait_dma2 semaphore(%run_scoped3A : memref<!tpu.dma_semaphore, #tpu.memory_space<semaphore_mem>>) src(%arg11 : memref<80xi32, #tpu.memory_space<vmem>>) dst(%dma_wait3A_90 : memref<80xi32, #tpu.memory_space<hbm>>)
        tpu.yield
      }) : () -> ()
    } else {
    }
    return
  }
}

module attributes {stable_mosaic.version = 14 : i64} {
  func.func @_neg_body(%arg0: i32, %arg1: memref<6000x256xf32, #tpu.memory_space<vmem>>, %arg2: memref<256x81xf32, #tpu.memory_space<vmem>>, %arg3: memref<81x1xf32, #tpu.memory_space<vmem>>, %arg4: memref<1x1x6000xi32, #tpu.memory_space<vmem>>, %arg5: memref<1x1xf32, #tpu.memory_space<smem>>) attributes {dimension_semantics = [#tpu.dimension_semantics<arbitrary>], iteration_bounds = array<i64: 5>, scalar_prefetch = 0 : i64, scratch_operands = 0 : i64, tpu.core_type = #tpu.core_type<tc>, window_params = [{transform_indices = @transform_0, window_bounds = array<i64: 6000, 256>}, {pipeline_mode = #tpu.pipeline_mode<synchronous>, transform_indices = @transform_1, window_bounds = array<i64: 256, 81>}, {pipeline_mode = #tpu.pipeline_mode<synchronous>, transform_indices = @transform_2, window_bounds = array<i64: 81, 1>}, {transform_indices = @transform_3, window_bounds = array<i64: 1, 1, 6000>}, {transform_indices = @transform_4, window_bounds = array<i64: 1, 1>}]} {
    %eq3A = arith.constant 0 : i32
    %eq3A_0 = arith.cmpi eq, %arg0, %eq3A : i32
    %convert_element_type3A = arith.extui %eq3A_0 : i1 to i32
    %cond3A = arith.constant 0 : i32
    %cond3A_1 = arith.cmpi ne, %convert_element_type3A, %cond3A : i32
    scf.if %cond3A_1 {
      %swap3A_71 = arith.constant 0.000000e+00 : f32
      %swap3A_72 = arith.constant 0 : index
      %swap3A_73 = arith.constant 0 : index
      %swap3A_74 = memref.load %arg5[%swap3A_72, %swap3A_73] : memref<1x1xf32, #tpu.memory_space<smem>>
      memref.store %swap3A_71, %arg5[%swap3A_72, %swap3A_73] : memref<1x1xf32, #tpu.memory_space<smem>>
    } else {
    }
    %get3A = arith.constant 0 : index
    %get3A_2 = arith.constant 0 : index
    %get3A_3 = vector.load %arg2[%get3A, %get3A_2] : memref<256x81xf32, #tpu.memory_space<vmem>>, vector<256x81xf32>
    %convert_element_type3A_4 = arith.truncf %get3A_3 : vector<256x81xf32> to vector<256x81xbf16>
    %get3A_5 = arith.constant 0 : index
    %get3A_6 = arith.constant 0 : index
    %get3A_7 = vector.load %arg1[%get3A_5, %get3A_6] : memref<6000x256xf32, #tpu.memory_space<vmem>>, vector<6000x256xf32>
    %convert_element_type3A_8 = arith.truncf %get3A_7 : vector<6000x256xf32> to vector<6000x256xbf16>
    %dot_general3A = arith.constant dense<0.000000e+00> : vector<81x6000xf32>
    %dot_general3A_9 = tpu.matmul %convert_element_type3A_4, %convert_element_type3A_8, %dot_general3A {dimension_numbers = #tpu.dot_dimension_numbers<[0], [1], [1], [0], [0, 1, 1, 0], [], []>, transpose_lhs_hint = false} : vector<256x81xbf16>, vector<6000x256xbf16>, vector<81x6000xf32> -> vector<81x6000xf32>
    %get3A_10 = arith.constant 0 : index
    %get3A_11 = arith.constant 0 : index
    %get3A_12 = vector.load %arg3[%get3A_10, %get3A_11] : memref<81x1xf32, #tpu.memory_space<vmem>>, vector<81x1xf32>
    %add3A = vector.broadcast %get3A_12 : vector<81x1xf32> to vector<81x6000xf32>
    %add3A_13 = arith.addf %dot_general3A_9, %add3A : vector<81x6000xf32>
    %abs3A = math.absf %add3A_13 : vector<81x6000xf32>
    %neg3A = arith.constant 0.000000e+00 : f32
    %neg3A_14 = vector.broadcast %neg3A : f32 to vector<81x6000xf32>
    %neg3A_15 = arith.subf %neg3A_14, %abs3A : vector<81x6000xf32>
    %exp3A = math.exp %neg3A_15 : vector<81x6000xf32>
    %add3A_16 = arith.constant 1.000000e+00 : f32
    %add3A_17 = vector.broadcast %add3A_16 : f32 to vector<81x6000xf32>
    %add3A_18 = arith.addf %add3A_17, %exp3A : vector<81x6000xf32>
    %div3A = arith.constant 1.000000e+00 : f32
    %div3A_19 = vector.broadcast %div3A : f32 to vector<81x6000xf32>
    %div3A_20 = arith.divf %div3A_19, %add3A_18 : vector<81x6000xf32>
    %max3A = arith.constant 0.000000e+00 : f32
    %max3A_21 = vector.broadcast %max3A : f32 to vector<81x6000xf32>
    %max3A_22 = arith.maximumf %add3A_13, %max3A_21 : vector<81x6000xf32>
    %log3A = math.log %add3A_18 : vector<81x6000xf32>
    %add3A_23 = arith.addf %max3A_22, %log3A : vector<81x6000xf32>
    %ge3A = arith.constant 0.000000e+00 : f32
    %ge3A_24 = vector.broadcast %ge3A : f32 to vector<81x6000xf32>
    %ge3A_25 = arith.cmpf oge, %add3A_13, %ge3A_24 : vector<81x6000xf32>
    %sub3A = arith.constant 1.000000e+00 : f32
    %sub3A_26 = vector.broadcast %sub3A : f32 to vector<81x6000xf32>
    %sub3A_27 = arith.subf %sub3A_26, %div3A_20 : vector<81x6000xf32>
    %select_n3A = arith.select %ge3A_25, %div3A_20, %sub3A_27 : vector<81x6000xi1>, vector<81x6000xf32>
    %mul3A = arith.constant 7.500000e-01 : f32
    %mul3A_28 = vector.broadcast %mul3A : f32 to vector<81x6000xf32>
    %mul3A_29 = arith.mulf %mul3A_28, %add3A_23 : vector<81x6000xf32>
    %mul3A_30 = arith.mulf %mul3A_29, %select_n3A : vector<81x6000xf32>
    %mul3A_31 = arith.mulf %mul3A_30, %select_n3A : vector<81x6000xf32>
    %reduce_sum3A = arith.constant dense<0.000000e+00> : vector<6000xf32>
    %reduce_sum3A_32 = vector.multi_reduction <add>, %mul3A_31, %reduce_sum3A [0] : vector<81x6000xf32> to vector<6000xf32>
    %broadcast_in_dim3A = vector.shape_cast %reduce_sum3A_32 : vector<6000xf32> to vector<1x6000xf32>
    %slice3A = vector.extract_strided_slice %add3A_23 {offsets = [80, 0], sizes = [1, 6000], strides = [1, 1]} : vector<81x6000xf32> to vector<1x6000xf32>
    %slice3A_33 = vector.extract_strided_slice %select_n3A {offsets = [80, 0], sizes = [1, 6000], strides = [1, 1]} : vector<81x6000xf32> to vector<1x6000xf32>
    %sub3A_34 = arith.constant 1.000000e+00 : f32
    %sub3A_35 = vector.broadcast %sub3A_34 : f32 to vector<1x6000xf32>
    %sub3A_36 = arith.subf %sub3A_35, %slice3A_33 : vector<1x6000xf32>
    %slice3A_37 = vector.extract_strided_slice %add3A_13 {offsets = [80, 0], sizes = [1, 6000], strides = [1, 1]} : vector<81x6000xf32> to vector<1x6000xf32>
    %sub3A_38 = arith.subf %slice3A, %slice3A_37 : vector<1x6000xf32>
    %mul3A_39 = arith.constant 2.500000e-01 : f32
    %mul3A_40 = vector.broadcast %mul3A_39 : f32 to vector<1x6000xf32>
    %mul3A_41 = arith.mulf %mul3A_40, %sub3A_38 : vector<1x6000xf32>
    %mul3A_42 = arith.mulf %mul3A_41, %sub3A_36 : vector<1x6000xf32>
    %mul3A_43 = arith.mulf %mul3A_42, %sub3A_36 : vector<1x6000xf32>
    %slice3A_44 = vector.extract_strided_slice %mul3A_31 {offsets = [80, 0], sizes = [1, 6000], strides = [1, 1]} : vector<81x6000xf32> to vector<1x6000xf32>
    %sub3A_45 = arith.subf %mul3A_43, %slice3A_44 : vector<1x6000xf32>
    %get3A_46 = arith.constant 0 : index
    %get3A_47 = arith.constant 0 : index
    %get3A_48 = arith.constant 0 : index
    %get3A_49 = vector.load %arg4[%get3A_46, %get3A_47, %get3A_48] : memref<1x1x6000xi32, #tpu.memory_space<vmem>>, vector<1x1x6000xi32>
    %get3A_50 = vector.shape_cast %get3A_49 : vector<1x1x6000xi32> to vector<1x6000xi32>
    %eq3A_51 = arith.constant 0 : i32
    %eq3A_52 = vector.broadcast %eq3A_51 : i32 to vector<1x6000xi32>
    %eq3A_53 = arith.cmpi eq, %get3A_50, %eq3A_52 : vector<1x6000xi32>
    %add3A_54 = arith.addf %broadcast_in_dim3A, %sub3A_45 : vector<1x6000xf32>
    %convert_element_type3A_55 = arith.extui %eq3A_53 : vector<1x6000xi1> to vector<1x6000xi32>
    %convert_element_type3A_56 = arith.sitofp %convert_element_type3A_55 : vector<1x6000xi32> to vector<1x6000xf32>
    %mul3A_57 = arith.mulf %add3A_54, %convert_element_type3A_56 : vector<1x6000xf32>
    %reduce_sum3A_58 = vector.shape_cast %mul3A_57 : vector<1x6000xf32> to vector<1x1x6000xf32>
    %reduce_sum3A_59 = arith.constant dense<0.000000e+00> : vector<1xf32>
    %reduce_sum3A_60 = vector.multi_reduction <add>, %reduce_sum3A_58, %reduce_sum3A_59 [1, 2] : vector<1x1x6000xf32> to vector<1xf32>
    %reduce_sum3A_61 = vector.shape_cast %reduce_sum3A_60 : vector<1xf32> to vector<1x1x1xf32>
    %reduce_sum3A_62 = vector.extract %reduce_sum3A_61[0, 0, 0] : f32 from vector<1x1x1xf32>
    %add3A_63 = arith.constant 0.000000e+00 : f32
    %add3A_64 = arith.addf %add3A_63, %reduce_sum3A_62 : f32
    %get3A_65 = arith.constant 0 : index
    %get3A_66 = arith.constant 0 : index
    %get3A_67 = memref.load %arg5[%get3A_65, %get3A_66] : memref<1x1xf32, #tpu.memory_space<smem>>
    %add3A_68 = arith.addf %get3A_67, %add3A_64 : f32
    %swap3A = arith.constant 0 : index
    %swap3A_69 = arith.constant 0 : index
    %swap3A_70 = memref.load %arg5[%swap3A, %swap3A_69] : memref<1x1xf32, #tpu.memory_space<smem>>
    memref.store %add3A_68, %arg5[%swap3A, %swap3A_69] : memref<1x1xf32, #tpu.memory_space<smem>>
    return
  }
  func.func @transform_0(%arg0: i32) -> (i32, i32) {
    %mul3A = arith.constant 1 : i32
    %mul3A_0 = arith.muli %mul3A, %arg0 : i32
    %add3A = arith.constant 0 : i32
    %add3A_1 = arith.addi %mul3A_0, %add3A : i32
    %c0_i32 = arith.constant 0 : i32
    %c0_i32_2 = arith.constant 0 : i32
    return %add3A_1, %c0_i32 : i32, i32
  }
  func.func @transform_1(%arg0: i32) -> (i32, i32) {
    %c0_i32 = arith.constant 0 : i32
    %c0_i32_0 = arith.constant 0 : i32
    %c0_i32_1 = arith.constant 0 : i32
    return %c0_i32, %c0_i32_0 : i32, i32
  }
  func.func @transform_2(%arg0: i32) -> (i32, i32) {
    %c0_i32 = arith.constant 0 : i32
    %c0_i32_0 = arith.constant 0 : i32
    %c0_i32_1 = arith.constant 0 : i32
    return %c0_i32, %c0_i32_0 : i32, i32
  }
  func.func @transform_3(%arg0: i32) -> (i32, i32, i32) {
    %c0_i32 = arith.constant 0 : i32
    %c0_i32_0 = arith.constant 0 : i32
    %c0_i32_1 = arith.constant 0 : i32
    return %arg0, %c0_i32, %c0_i32_0 : i32, i32, i32
  }
  func.func @transform_4(%arg0: i32) -> (i32, i32) {
    %c0_i32 = arith.constant 0 : i32
    %c0_i32_0 = arith.constant 0 : i32
    %c0_i32_1 = arith.constant 0 : i32
    return %c0_i32, %c0_i32_0 : i32, i32
  }
}

module attributes {stable_mosaic.version = 14 : i64} {
  func.func @_pos_body(%arg0: i32, %arg1: memref<2000x128xf32, #tpu.memory_space<vmem>>, %arg2: memref<2000x128xf32, #tpu.memory_space<vmem>>, %arg3: memref<256x81xf32, #tpu.memory_space<vmem>>, %arg4: memref<81x1xf32, #tpu.memory_space<vmem>>, %arg5: memref<1x2000xi32, #tpu.memory_space<vmem>>, %arg6: memref<1x1xf32, #tpu.memory_space<smem>>) attributes {dimension_semantics = [#tpu.dimension_semantics<arbitrary>], iteration_bounds = array<i64: 1>, scalar_prefetch = 0 : i64, scratch_operands = 0 : i64, tpu.core_type = #tpu.core_type<tc>, window_params = [{transform_indices = @transform_0, window_bounds = array<i64: 2000, 128>}, {transform_indices = @transform_1, window_bounds = array<i64: 2000, 128>}, {pipeline_mode = #tpu.pipeline_mode<synchronous>, transform_indices = @transform_2, window_bounds = array<i64: 256, 81>}, {pipeline_mode = #tpu.pipeline_mode<synchronous>, transform_indices = @transform_3, window_bounds = array<i64: 81, 1>}, {pipeline_mode = #tpu.pipeline_mode<synchronous>, transform_indices = @transform_4, window_bounds = array<i64: 1, 2000>}, {transform_indices = @transform_5, window_bounds = array<i64: 1, 1>}]} {
    %get3A = arith.constant 0 : index
    %get3A_0 = arith.constant 0 : index
    %get3A_1 = vector.load %arg3[%get3A, %get3A_0] : memref<256x81xf32, #tpu.memory_space<vmem>>, vector<128x81xf32>
    %get3A_2 = arith.constant 0 : index
    %get3A_3 = arith.constant 0 : index
    %get3A_4 = vector.load %arg1[%get3A_2, %get3A_3] : memref<2000x128xf32, #tpu.memory_space<vmem>>, vector<2000x128xf32>
    %dot_general3A = arith.constant dense<0.000000e+00> : vector<81x2000xf32>
    %dot_general3A_5 = tpu.matmul %get3A_1, %get3A_4, %dot_general3A {dimension_numbers = #tpu.dot_dimension_numbers<[0], [1], [1], [0], [0, 1, 1, 0], [], []>, transpose_lhs_hint = false} : vector<128x81xf32>, vector<2000x128xf32>, vector<81x2000xf32> -> vector<81x2000xf32>
    %get3A_6 = arith.constant 128 : index
    %get3A_7 = arith.constant 0 : index
    %get3A_8 = vector.load %arg3[%get3A_6, %get3A_7] : memref<256x81xf32, #tpu.memory_space<vmem>>, vector<128x81xf32>
    %get3A_9 = arith.constant 0 : index
    %get3A_10 = arith.constant 0 : index
    %get3A_11 = vector.load %arg2[%get3A_9, %get3A_10] : memref<2000x128xf32, #tpu.memory_space<vmem>>, vector<2000x128xf32>
    %dot_general3A_12 = arith.constant dense<0.000000e+00> : vector<81x2000xf32>
    %dot_general3A_13 = tpu.matmul %get3A_8, %get3A_11, %dot_general3A_12 {dimension_numbers = #tpu.dot_dimension_numbers<[0], [1], [1], [0], [0, 1, 1, 0], [], []>, transpose_lhs_hint = false} : vector<128x81xf32>, vector<2000x128xf32>, vector<81x2000xf32> -> vector<81x2000xf32>
    %add3A = arith.addf %dot_general3A_5, %dot_general3A_13 : vector<81x2000xf32>
    %get3A_14 = arith.constant 0 : index
    %get3A_15 = arith.constant 0 : index
    %get3A_16 = vector.load %arg4[%get3A_14, %get3A_15] : memref<81x1xf32, #tpu.memory_space<vmem>>, vector<81x1xf32>
    %add3A_17 = vector.broadcast %get3A_16 : vector<81x1xf32> to vector<81x2000xf32>
    %add3A_18 = arith.addf %add3A, %add3A_17 : vector<81x2000xf32>
    %iota3A = tpu.iota {dimensions = array<i32: 0>} : vector<81x1xi32>
    %get3A_19 = arith.constant 0 : index
    %get3A_20 = arith.constant 0 : index
    %get3A_21 = vector.load %arg5[%get3A_19, %get3A_20] : memref<1x2000xi32, #tpu.memory_space<vmem>>, vector<1x2000xi32>
    %eq3A = vector.broadcast %iota3A : vector<81x1xi32> to vector<81x2000xi32>
    %eq3A_22 = vector.broadcast %get3A_21 : vector<1x2000xi32> to vector<81x2000xi32>
    %eq3A_23 = arith.cmpi eq, %eq3A, %eq3A_22 : vector<81x2000xi32>
    %convert_element_type3A = arith.extui %eq3A_23 : vector<81x2000xi1> to vector<81x2000xi32>
    %convert_element_type3A_24 = arith.sitofp %convert_element_type3A : vector<81x2000xi32> to vector<81x2000xf32>
    %abs3A = math.absf %add3A_18 : vector<81x2000xf32>
    %neg3A = arith.constant 0.000000e+00 : f32
    %neg3A_25 = vector.broadcast %neg3A : f32 to vector<81x2000xf32>
    %neg3A_26 = arith.subf %neg3A_25, %abs3A : vector<81x2000xf32>
    %exp3A = math.exp %neg3A_26 : vector<81x2000xf32>
    %add3A_27 = arith.constant 1.000000e+00 : f32
    %add3A_28 = vector.broadcast %add3A_27 : f32 to vector<81x2000xf32>
    %add3A_29 = arith.addf %add3A_28, %exp3A : vector<81x2000xf32>
    %div3A = arith.constant 1.000000e+00 : f32
    %div3A_30 = vector.broadcast %div3A : f32 to vector<81x2000xf32>
    %div3A_31 = arith.divf %div3A_30, %add3A_29 : vector<81x2000xf32>
    %max3A = arith.constant 0.000000e+00 : f32
    %max3A_32 = vector.broadcast %max3A : f32 to vector<81x2000xf32>
    %max3A_33 = arith.maximumf %add3A_18, %max3A_32 : vector<81x2000xf32>
    %log3A = math.log %add3A_29 : vector<81x2000xf32>
    %add3A_34 = arith.addf %max3A_33, %log3A : vector<81x2000xf32>
    %ge3A = arith.constant 0.000000e+00 : f32
    %ge3A_35 = vector.broadcast %ge3A : f32 to vector<81x2000xf32>
    %ge3A_36 = arith.cmpf oge, %add3A_18, %ge3A_35 : vector<81x2000xf32>
    %sub3A = arith.constant 1.000000e+00 : f32
    %sub3A_37 = vector.broadcast %sub3A : f32 to vector<81x2000xf32>
    %sub3A_38 = arith.subf %sub3A_37, %div3A_31 : vector<81x2000xf32>
    %select_n3A = arith.select %ge3A_36, %div3A_31, %sub3A_38 : vector<81x2000xi1>, vector<81x2000xf32>
    %gt3A = arith.constant 0.000000e+00 : f32
    %gt3A_39 = vector.broadcast %gt3A : f32 to vector<81x2000xf32>
    %gt3A_40 = arith.cmpf ogt, %convert_element_type3A_24, %gt3A_39 : vector<81x2000xf32>
    %sub3A_41 = arith.subf %add3A_34, %add3A_18 : vector<81x2000xf32>
    %select_n3A_42 = arith.select %gt3A_40, %sub3A_41, %add3A_34 : vector<81x2000xi1>, vector<81x2000xf32>
    %gt3A_43 = arith.constant 0.000000e+00 : f32
    %gt3A_44 = vector.broadcast %gt3A_43 : f32 to vector<81x2000xf32>
    %gt3A_45 = arith.cmpf ogt, %convert_element_type3A_24, %gt3A_44 : vector<81x2000xf32>
    %sub3A_46 = arith.constant 1.000000e+00 : f32
    %sub3A_47 = vector.broadcast %sub3A_46 : f32 to vector<81x2000xf32>
    %sub3A_48 = arith.subf %sub3A_47, %select_n3A : vector<81x2000xf32>
    %select_n3A_49 = arith.select %gt3A_45, %select_n3A, %sub3A_48 : vector<81x2000xi1>, vector<81x2000xf32>
    %gt3A_50 = arith.constant 0.000000e+00 : f32
    %gt3A_51 = vector.broadcast %gt3A_50 : f32 to vector<81x2000xf32>
    %gt3A_52 = arith.cmpf ogt, %convert_element_type3A_24, %gt3A_51 : vector<81x2000xf32>
    %jit3A = arith.constant 2.500000e-01 : f32
    %jit3A_53 = arith.constant 7.500000e-01 : f32
    %broadcast_in_dim3A = vector.broadcast %jit3A : f32 to vector<81x2000xf32>
    %broadcast_in_dim3A_54 = vector.broadcast %jit3A_53 : f32 to vector<81x2000xf32>
    %select_n3A_55 = arith.select %gt3A_52, %broadcast_in_dim3A, %broadcast_in_dim3A_54 : vector<81x2000xi1>, vector<81x2000xf32>
    %sub3A_56 = arith.constant 1.000000e+00 : f32
    %sub3A_57 = vector.broadcast %sub3A_56 : f32 to vector<81x2000xf32>
    %sub3A_58 = arith.subf %sub3A_57, %select_n3A_49 : vector<81x2000xf32>
    %mul3A = arith.mulf %select_n3A_55, %select_n3A_42 : vector<81x2000xf32>
    %mul3A_59 = arith.mulf %mul3A, %sub3A_58 : vector<81x2000xf32>
    %mul3A_60 = arith.mulf %mul3A_59, %sub3A_58 : vector<81x2000xf32>
    %reduce_sum3A = vector.shape_cast %mul3A_60 : vector<81x2000xf32> to vector<1x81x2000xf32>
    %reduce_sum3A_61 = arith.constant dense<0.000000e+00> : vector<1xf32>
    %reduce_sum3A_62 = vector.multi_reduction <add>, %reduce_sum3A, %reduce_sum3A_61 [1, 2] : vector<1x81x2000xf32> to vector<1xf32>
    %reduce_sum3A_63 = vector.shape_cast %reduce_sum3A_62 : vector<1xf32> to vector<1x1x1xf32>
    %reduce_sum3A_64 = vector.extract %reduce_sum3A_63[0, 0, 0] : f32 from vector<1x1x1xf32>
    %swap3A = arith.constant 0 : index
    %swap3A_65 = arith.constant 0 : index
    %swap3A_66 = memref.load %arg6[%swap3A, %swap3A_65] : memref<1x1xf32, #tpu.memory_space<smem>>
    memref.store %reduce_sum3A_64, %arg6[%swap3A, %swap3A_65] : memref<1x1xf32, #tpu.memory_space<smem>>
    return
  }
  func.func @transform_0(%arg0: i32) -> (i32, i32) {
    %c0_i32 = arith.constant 0 : i32
    %c0_i32_0 = arith.constant 0 : i32
    %c0_i32_1 = arith.constant 0 : i32
    return %c0_i32, %c0_i32_0 : i32, i32
  }
  func.func @transform_1(%arg0: i32) -> (i32, i32) {
    %c0_i32 = arith.constant 0 : i32
    %c1_i32 = arith.constant 1 : i32
    %c0_i32_0 = arith.constant 0 : i32
    return %c0_i32, %c1_i32 : i32, i32
  }
  func.func @transform_2(%arg0: i32) -> (i32, i32) {
    %c0_i32 = arith.constant 0 : i32
    %c0_i32_0 = arith.constant 0 : i32
    %c0_i32_1 = arith.constant 0 : i32
    return %c0_i32, %c0_i32_0 : i32, i32
  }
  func.func @transform_3(%arg0: i32) -> (i32, i32) {
    %c0_i32 = arith.constant 0 : i32
    %c0_i32_0 = arith.constant 0 : i32
    %c0_i32_1 = arith.constant 0 : i32
    return %c0_i32, %c0_i32_0 : i32, i32
  }
  func.func @transform_4(%arg0: i32) -> (i32, i32) {
    %c0_i32 = arith.constant 0 : i32
    %c0_i32_0 = arith.constant 0 : i32
    %c0_i32_1 = arith.constant 0 : i32
    return %c0_i32, %c0_i32_0 : i32, i32
  }
  func.func @transform_5(%arg0: i32) -> (i32, i32) {
    %c0_i32 = arith.constant 0 : i32
    %c0_i32_0 = arith.constant 0 : i32
    %c0_i32_1 = arith.constant 0 : i32
    return %c0_i32, %c0_i32_0 : i32, i32
  }
}

</mosaic_0001>

<sc_bundles>
// kernel: kernel.5.cloned.1.call-start
scs
__scs_entry_jumppad:
0x0: {  	(pc) =	sbr.rel $0x88, $3  }
0x1: {  	(tag) =	ssettag $0x0;
	lr =	simm.s32 $0x1  }
0x2: {  	[smem:$0x3F9A] =	sst lr;
	_ =	strace $0xD0000000  }
0x3: {  	_ = 	snop  }
0x4: {  	_ = 	snop  }
0x5: {  	_ = 	snop  }
0x6: {  	_ = 	snop  }
0x7: {  	_ = 	snop  }
__scs_overlays_trampoline_lowered:
0x8: {  	[smem:$0x3FA9] =	sst s0  }
0x9: {  	[smem:$0x3FAA] =	sst s1  }
0xa: {  	[smem:$0x3FAB] =	sst s2  }
0xb: {  	[smem:$0x3FAC] =	sst s3  }
0xc: {  	[smem:$0x3FAD] =	sst s4  }
0xd: {  	[smem:$0x3FAE] =	sst s5  }
0xe: {  	[smem:$0x3FAF] =	sst s6  }
0xf: {  	[smem:$0x3FB0] =	sst s7  }
0x10: {  	[smem:$0x3FB1] =	sst s8  }
0x11: {  	[smem:$0x3FB2] =	sst s9;
	s0 =	simm.s32 @!p0 $0x0  }
0x12: {  	s1 =	sld [smem:$0x3F98];
	s0 =	simm.s32 @p0 $0x1  }
0x13: {  	[smem:$0x3FB3] =	sst s0;
	s0 =	simm.s32 @!p1 $0x0  }
0x14: {  	s2 =	sld [smem:$0x3F97];
	s0 =	simm.s32 @p1 $0x1  }
0x15: {  	[smem:$0x3FB4] =	sst s0;
	s0 =	simm.s32 @!p2 $0x0  }
0x16: {  	s3 =	sld [smem:$0x3FDB];
	s0 =	simm.s32 @p2 $0x1  }
0x17: {  	s4 =	simm.s32 $0x1BF5;
	[smem:$0x3FB6] =	sst s0  }
0x18: {  	s0 =	sld [smem:$0x3F99];
	_ =	swait.ge [sflag:s4], $0x0  }
0x19: {  	s7 =	sld [smem:$0x3F9A]  }
0x1a: {  	s8 =	sadd.s32 $0xFFFFE003, lr  }
0x1b: {  	s9 =	sadd.s32 $0xFFFFFEF7, lr;
	s5 =	simm.s32 $0xFFFFFFFF;
	p2 =	slt.u32 s8, $0xFFFFF086  }
0x1c: {  	p1 =	slt.u32 s9, $0xF7A;
	s5 =	simm.s32 @!p2 $0x0  }
0x1d: {  	s5 =	simm.s32 @p1 $0x1;
	p0 =	seq.s32 s7, s2  }
0x1e: {  	s7 =	smul.u32 @!p0 $0xF7A, s2;
	p2 =	seq.s32 @!p0 s5, $0x0  }
0x1f: {  	s9 =	smul.u32 $0xF7A, s1;
	s8 =	simm.s32 @!p0 $0x1BF5;
	p2 =	por !p2, p0  }
0x20: {  	[sflag:s8] =	ssyncset.s32 @!p0 $0xFFFFF086;
	s6 =	sadd.s32 @!p0 s3, s7;
	s7 =	simm.s32 @!p0 $0x108  }
0x21: {  	s3 =	sadd.s32 s3, s9;
	s6 =	sadd.s32 @!p0 $0x88, s6;
	s7 =	simm.s32 @p2 $0x1082  }
0x22: {  	[simem:s7], [sflag:s8] =	dma.local @!p0 [hbm:s6], $0xF7A  }
0x23: {  	s9 =	sor.u32 $0xD0000000, s2;
	s6 =	simm.s32 $0x108;
	_ =	swait.ge @!p0 [sflag:s8], $0x0  }
0x24: {  	s3 =	sadd.s32 $0x88, s3;
	s6 =	simm.s32 @!p1 $0x1082;
	[sflag:s4] =	ssyncset.s32 $0xFFFFF086  }
0x25: {  	[simem:s6], [sflag:s4] =	dma.local [hbm:s3], $0xF7A  }
0x26: {  	[smem:$0x3F9A] =	sst s1;
	(tag) =	ssettag s2;
	_ =	strace s9  }
0x27: {  	s1 =	sld [smem:$0x3FAA]  }
0x28: {  	s2 =	sld [smem:$0x3FAB]  }
0x29: {  	s4 =	sld [smem:$0x3FAD]  }
0x2a: {  	p0 =	seq.s32 s5, $0x0;
	s5 =	sld [smem:$0x3FAE]  }
0x2b: {  	s6 =	sld [smem:$0x3FAF]  }
0x2c: {  	s7 =	sld [smem:$0x3FB0]  }
0x2d: {  	s3 =	simm.s32 $0x108;
	s8 =	sld [smem:$0x3FB1]  }
0x2e: {  	s3 =	simm.s32 @!p0 $0x1082;
	s9 =	sld [smem:$0x3FB2]  }
0x2f: {  	lr =	sadd.s32 s0, s3;
	s0 =	sld [smem:$0x3FA9]  }
0x30: {  	s3 =	sld [smem:$0x3FAC]  }
0x31: {  	[smem:$0x3FB5] =	sst s10  }
0x32: {  	s10 =	sld [smem:$0x3FB3];
	_ =	sdelay $0x3  }
0x33: {  	p0 =	seq.s32 s10, $0x1;
	s10 =	sld [smem:$0x3FB5];
	_ =	sdelay $0x3  }
0x34: {  	[smem:$0x3FB5] =	sst s10  }
0x35: {  	s10 =	sld [smem:$0x3FB4];
	_ =	sdelay $0x3  }
0x36: {  	p1 =	seq.s32 s10, $0x1;
	s10 =	sld [smem:$0x3FB5];
	_ =	sdelay $0x3  }
0x37: {  	[smem:$0x3FB5] =	sst s10  }
0x38: {  	s10 =	sld [smem:$0x3FB6]  }
0x39: {  	_ = 	snop;
	(pc) =	sbr.ind lr, $3  }
0x3a: {  	_ = 	snop  }
0x3b: {  	_ = 	snop  }
0x3c: {  	p2 =	seq.s32 s10, $0x1;
	s10 =	sld [smem:$0x3FB5]  }
0x3d: {  	_ =	shalt  }
0x3e: {  	_ =	shalt  }
0x3f: {  	_ =	shalt  }
0x40: {  	_ =	shalt  }
0x41: {  	_ =	shalt  }
0x42: {  	_ =	shalt  }
0x43: {  	_ =	shalt  }
0x44: {  	_ =	shalt  }
0x45: {  	_ =	shalt  }
0x46: {  	_ =	shalt  }
0x47: {  	_ =	shalt  }
0x48: {  	_ =	shalt  }
0x49: {  	_ =	shalt  }
0x4a: {  	_ =	shalt  }
0x4b: {  	_ =	shalt  }
0x4c: {  	_ =	shalt  }
0x4d: {  	_ =	shalt  }
0x4e: {  	_ =	shalt  }
0x4f: {  	_ =	shalt  }
0x50: {  	_ =	shalt  }
0x51: {  	_ =	shalt  }
0x52: {  	_ =	shalt  }
0x53: {  	_ =	shalt  }
0x54: {  	_ =	shalt  }
0x55: {  	_ =	shalt  }
0x56: {  	_ =	shalt  }
0x57: {  	_ =	shalt  }
0x58: {  	_ =	shalt  }
0x59: {  	_ =	shalt  }
0x5a: {  	_ =	shalt  }
0x5b: {  	_ =	shalt  }
0x5c: {  	_ =	shalt  }
0x5d: {  	_ =	shalt  }
0x5e: {  	_ =	shalt  }
0x5f: {  	_ =	shalt  }
0x60: {  	_ =	shalt  }
0x61: {  	_ =	shalt  }
0x62: {  	_ =	shalt  }
0x63: {  	_ =	shalt  }
0x64: {  	_ =	shalt  }
0x65: {  	_ =	shalt  }
0x66: {  	_ =	shalt  }
0x67: {  	_ =	shalt  }
0x68: {  	_ =	shalt  }
0x69: {  	_ =	shalt  }
0x6a: {  	_ =	shalt  }
0x6b: {  	_ =	shalt  }
0x6c: {  	_ =	shalt  }
0x6d: {  	_ =	shalt  }
0x6e: {  	_ =	shalt  }
0x6f: {  	_ =	shalt  }
0x70: {  	_ =	shalt  }
0x71: {  	_ =	shalt  }
0x72: {  	_ =	shalt  }
0x73: {  	_ =	shalt  }
0x74: {  	_ =	shalt  }
0x75: {  	_ =	shalt  }
0x76: {  	_ =	shalt  }
0x77: {  	_ =	shalt  }
0x78: {  	_ =	shalt  }
0x79: {  	_ =	shalt  }
0x7a: {  	_ =	shalt  }
0x7b: {  	_ =	shalt  }
0x7c: {  	_ =	shalt  }
0x7d: {  	_ =	shalt  }
0x7e: {  	_ =	shalt  }
0x7f: {  	_ =	shalt  }
0x80: {  	_ =	shalt  }
0x81: {  	_ =	shalt  }
0x82: {  	_ =	shalt  }
0x83: {  	_ =	shalt  }
0x84: {  	_ =	shalt  }
0x85: {  	_ =	shalt  }
0x86: {  	_ =	shalt  }
0x87: {  	_ =	shalt  }
.Lfunc_end0:
.L_simem_size_0:
called_computation_lowered:
.L_overlay_start_0:
0x88: {  	s2 =	sld [smem:$0x3FD9]  }
0x89: {  	s3 =	sld [smem:$0x3FFE];
	_ =	sdelay $0x1  }
0x8a: {  	s1 =	srdreg.scid  }
0x8b: {  	s0 =	sand.u32 $0x1, s1  }
0x8c: {  	s17 =	sshll.u32 s0, $0xA;
	s2 =	sadd.s32 s3, s2  }
0x8d: {  	s2 =	sadd.s32 s2, s17  }
0x8e: {  	[smem:$0x3FC1] =	sst s2  }
0x8f: {  	_ = 	snop  }
0x90: {  	s2 =	sld [smem:$0x3FC9]  }
0x91: {  	s18 =	sld [smem:$0x3FC5]  }
0x92: {  	s4 =	sld [smem:$0x3FC4]  }
0x93: {  	s5 =	sld [smem:$0x3FC3];
	(tm) =	ssettm $0x1  }
0x94: {  	s6 =	sld [smem:$0x3FFB];
	_ =	sdelay $0x3  }
0x95: {  	_ =	strace s6  }
0x96: {  	s6 =	sld [smem:$0x3FFC];
	_ =	sdelay $0x3  }
0x97: {  	_ =	strace s6  }
0x98: {  	s6 =	sld [smem:$0x3FFD];
	_ =	sdelay $0x3  }
0x99: {  	_ =	strace s6  }
0x9a: {  	_ =	strace $0x8FFFFFFF  }
0x9b: {  	s19 =	sld [smem:$0x3FDB];
	_ =	sdelay $0x1  }
0x9c: {  	s7 =	simm.s32 $_scs_section_size  }
0x9d: {  	s8 =	simm.s32 $_size__tile_overlayer_lowered;
	s9 =	simm.s32 $_tile_overlayer_lowered  }
0x9e: {  	s22 =	simm.s32 $0x1BFF;
	s21 =	sshll.u32 s9, $0x1;
	s6 =	sadd.s32 s7, s19  }
0x9f: {  	s10 =	simm.s32 $0x0;
	s20 =	sshll.u32 s8, $0x1;
	s8 =	sadd.s32 s21, s6  }
0xa0: {  	[timem:s10], [sflag:s22] =	dma.local [hbm:s8], s20  }
0xa1: {  	_ =	swait.ge [sflag:s22], s20  }
0xa2: {  	s7 =	ssub.s32 $0x0, s20;
	[sflag:s22] =	ssyncset.done $0x0  }
0xa3: {  	[sflag:s22] =	ssyncadd.s32 s7;
	_ =	sdelay $0x1  }
0xa4: {  	s23 =	simm.s32 $0x1B8B  }
0xa5: {  	_ =	swait.ge [sflag:s23], $0x1  }
0xa6: {  	[sflag:s23] =	ssyncset.done $0x0  }
0xa7: {  	s25 =	simm.s32 $0x1B8E;
	s24 =	sld [smem:$0x3FFE];
	[sflag:s23] =	ssyncadd.s32 $0xFFFFFFFF  }
0xa8: {  	s26 =	simm.s32 $execute0_lowered;
	[smem:$0x3FD2] =	sst s25  }
0xa9: {  	s8 =	sshll.u32 s26, $0x1;
	_ =	strace $0x80000046;
	[dreg:$0x1] =	wrdreg $0xFFFFFFFF  }
0xaa: {  	s28 =	simm.s32 $_size_execute0_lowered;
	s6 =	sadd.s32 s6, s8;
	[dreg:$0x0] =	wrdreg $0x0  }
0xab: {  	s8 =	sshll.u32 s28, $0x1;
	[dreg:$0x2] =	wrdreg s6  }
0xac: {  	[dreg:$0x3] =	wrdreg s8  }
0xad: {  	[dreg:$0x4] =	wrdreg $0xC0  }
0xae: {  	_ =	task [dreg:s10], $0x5FFFF  }
0xaf: {  	[dreg:$0x1] =	wrdreg $0xFFFFFFFF  }
0xb0: {  	[dreg:$0x0] =	wrdreg $0x60  }
0xb1: {  	[dreg:$0x2] =	wrdreg s2  }
0xb2: {  	[dreg:$0x3] =	wrdreg s18  }
0xb3: {  	[dreg:$0x4] =	wrdreg s4  }
0xb4: {  	[dreg:$0x5] =	wrdreg s5  }
0xb5: {  	[dreg:$0x6] =	wrdreg s24  }
0xb6: {  	[dreg:$0x7] =	wrdreg $0x9  }
0xb7: {  	_ =	task.clear_ibuf [dreg:s10], $0x8FFFF;
	_ =	strace $0x90000046  }
0xb8: {  	s29 =	simm.s32 $0x9;
	_ =	strace $0x80000048  }
0xb9: {  	_ =	swait.ge [sflag:s29], $0x1  }
0xba: {  	[sflag:s29] =	ssyncadd.s32 $0xFFFFFFFF  }
0xbb: {  	_ =	strace $0x90000048  }
0xbc: {  	_ =	sfence  }
0xbd: {  	s30 =	sld [smem:$0x0];
	_ =	sdelay $0x2  }
0xbe: {  	s31 =	sshll.u32 s1, $0xD;
	s1 =	sshrl.u32 s1, $0x2  }
0xbf: {  	s3 =	sand.u32 $0x4000, s31;
	s1 =	sadd.s32 s1, s30  }
0xc0: {  	s0 =	sor.u32 s3, s0;
	s1 =	sshll.u32 s1, $0x11  }
0xc1: {  	s0 =	sor.u32 s1, s0  }
0xc2: {  	s0 =	sadd.s32 $0x8F2B, s0  }
0xc3: {  	[sflag:s0] =	ssyncadd.remote.s32 $0x1  }
0xc4: {  	_ =	sfence.sel $0xFFFF  }
0xc5: {  	[dreg:$0x0] =	wrdreg $0xFFFFFFFF;
	(pc) =	sbr.abs _section_cstart, $3  }
0xc6: {  	[dreg:$0x1] =	wrdreg $0xFFFFFFFF  }
0xc7: {  	_ =	task.clear_ibuf [dreg:s10], $0x2FFFF;
	_ =	strace $0x9FFFFFFF  }
0xc8: {  	(tm) =	ssettm $0x7FFFFFFF  }
0xc9: {  	_ =	shalt  }
tec
execute0_lowered:
.L_overlay_start_1:
0x0: {  	(tag) =	ssettag $0x1  }
0x1: {  	s2 =	srdreg.scid;
	s1 =	stileid.u32  }
0x2: {  	s7 =	sand.u32 $0x1, s2;
	s9 =	sshll.u32 s1, $0x1  }
0x3: {  	s0 =	rddreg [dreg:$0x0];
	s9 =	sor.u32 s7, s9  }
0x4: {  	s8 =	rddreg [dreg:$0x1];
	p0 =	sgt.u32 s9, $0x18  }
.Ltmp0:
0x5: {  	s5 =	rddreg [dreg:$0x2];
	(pc) =	sbr.rel @p0 .LBB2_3-.Ltmp0, $4  }
0x6: {  	s3 =	rddreg [dreg:$0x3]  }
0x7: {  	s6 =	rddreg [dreg:$0x4];
	s4 =	simm.s32 $0x0  }
0x8: {  	[smem:$0x7FF] =	sst s4  }
0x9: {  	s2 =	rddreg [dreg:$0x5];
	_ =	strace $0x80000047  }
0xa: {  	s10 =	smul.u32 $0xA00, s9  }
0xb: {  	s29 =	smul.u32 $0xA, s9;
	s11 =	ssub.s32 $0x2, s7;
	s13 =	simm.s32 $0x880  }
0xc: {  	s14 =	simm.s32 $0x1080;
	s15 =	simm.s32 $0x1880;
	s16 =	simm.s32 $0x2080  }
0xd: {  	s17 =	simm.s32 $0x2880;
	s18 =	simm.s32 $0x3080;
	s19 =	simm.s32 $0x3880  }
0xe: {  	s20 =	simm.s32 $0x4080;
	s21 =	simm.s32 $0x4880;
	s22 =	simm.s32 $0x50  }
0xf: {  	s23 =	simm.s32 $0x5100;
	s24 =	simm.s32 $0x1;
	s25 =	simm.s32 $0x2  }
0x10: {  	s12 =	sshrl.u32 s11, $0x1;
	s10 =	sadd.s32 s10, s6;
	s30 =	sadd.s32 s29, s6  }
0x11: {  	v2 =	vlaneseq.u32;
	s5 =	sadd.s32 s5, s29;
	s31 =	ssub.s32 s11, s12;
	s8 =	sadd.s32 s8, s29  }
0x12: {  	vm0 =	vmmov $0xffff;
	v1 =	vshrl.u32 v2, $0x3;
	s11 =	simm.s32 $0x5080;
	s12 =	simm.s32 $0x80;
	s6 =	sadd.s32 $0x1200, s10  }
0x13: {  	v0 =	vand.u32 $0x7, v2;
	v2 =	vor.u32 $0x8, v2;
	v1 =	vmul.u32 $0x8, v1;
	s7 =	sadd.s32 $0x10C00, s30;
	s9 =	smax.u32 s31, $0x1;
	s10 =	simm.s32 $0x3  }
.LBB2_2:
0x14: {  	[tilespmem:s4], [sflag:$0x3] =	stream.linear.gather [hbm4b:s8+s4], $0x50, $0x38;
	[tilespmem:$0x5180] =	vst v63  }
0x15: {  	_ =	swait.ge [sflag:s10], $0x50  }
0x16: {  	[sflag:s10] =	ssyncset.done $0x0  }
0x17: {  	[sflag:s10] =	ssyncadd.s32 $0xFFFFFFB0  }
0x18: {  	[tilespmem:s11], [sflag:$0x3] =	stream.linear.gather [hbm4b:s5+s4], $0x50, $0x38;
	[tilespmem:$0x5180] =	vst v63  }
0x19: {  	_ =	swait.ge [sflag:s10], $0x50  }
0x1a: {  	[sflag:s10] =	ssyncset.done $0x0  }
0x1b: {  	[sflag:s10] =	ssyncadd.s32 $0xFFFFFFB0  }
0x1c: {  	v3 =	vld [tilespmem:$0x0];
	_ =	sdelay $0x4  }
0x1d: {  	v4 =	vshll.u32 v3, $0x1  }
0x1e: {  	v3 =	vand.u32 $0x7, v3;
	v4 =	vand.u32 $0xFFFFFFF0, v4  }
0x1f: {  	v3 =	vor.u32 v3, v4  }
0x20: {  	v4 =	vperm.xlane v3, v0;
	_ =	sdelay $0x1  }
0x21: {  	v3 =	vperm.xlane v3, v2;
	v4 =	vadd.s32 v1, v4;
	_ =	sdelay $0x1  }
0x22: {  	v3 =	vadd.s32 v1, v3;
	_ =	sdelay $0x2  }
0x23: {  	[tilespmem:s12], [sflag:$0x1] =	stream.indirect_vreg.gather [hbm4b:s0+s4], $0x80, v4, vm0, $0xb8;
	[tilespmem:$0x5180] =	vst v63  }
0x24: {  	_ = 	snop  }
0x25: {  	[tilespmem:s13], [sflag:$0x1] =	stream.indirect_vreg.gather [hbm4b:s0+s4], $0x80, v3, vm0, $0xb8;
	[tilespmem:$0x5180] =	vst v63  }
0x26: {  	v3 =	vld [tilespmem:$0x10];
	_ =	sdelay $0x4  }
0x27: {  	v60 =	vshll.u32 v3, $0x1  }
0x28: {  	v3 =	vand.u32 $0x7, v3;
	v4 =	vand.u32 $0xFFFFFFF0, v60  }
0x29: {  	v3 =	vor.u32 v3, v4  }
0x2a: {  	v4 =	vperm.xlane v3, v0;
	_ =	sdelay $0x1  }
0x2b: {  	v3 =	vperm.xlane v3, v2;
	v4 =	vadd.s32 v1, v4;
	_ =	sdelay $0x1  }
0x2c: {  	v3 =	vadd.s32 v1, v3;
	_ =	sdelay $0x2  }
0x2d: {  	[tilespmem:s14], [sflag:$0x1] =	stream.indirect_vreg.gather [hbm4b:s0+s4], $0x80, v4, vm0, $0xb8;
	[tilespmem:$0x5180] =	vst v63  }
0x2e: {  	_ = 	snop  }
0x2f: {  	[tilespmem:s15], [sflag:$0x1] =	stream.indirect_vreg.gather [hbm4b:s0+s4], $0x80, v3, vm0, $0xb8;
	[tilespmem:$0x5180] =	vst v63  }
0x30: {  	v3 =	vld [tilespmem:$0x20];
	_ =	sdelay $0x4  }
0x31: {  	v61 =	vshll.u32 v3, $0x1  }
0x32: {  	v3 =	vand.u32 $0x7, v3;
	v4 =	vand.u32 $0xFFFFFFF0, v61  }
0x33: {  	v3 =	vor.u32 v3, v4  }
0x34: {  	v4 =	vperm.xlane v3, v0;
	_ =	sdelay $0x1  }
0x35: {  	v3 =	vperm.xlane v3, v2;
	v4 =	vadd.s32 v1, v4;
	_ =	sdelay $0x1  }
0x36: {  	v3 =	vadd.s32 v1, v3;
	_ =	sdelay $0x2  }
0x37: {  	[tilespmem:s16], [sflag:$0x1] =	stream.indirect_vreg.gather [hbm4b:s0+s4], $0x80, v4, vm0, $0xb8;
	[tilespmem:$0x5180] =	vst v63  }
0x38: {  	_ = 	snop  }
0x39: {  	[tilespmem:s17], [sflag:$0x1] =	stream.indirect_vreg.gather [hbm4b:s0+s4], $0x80, v3, vm0, $0xb8;
	[tilespmem:$0x5180] =	vst v63  }
0x3a: {  	v3 =	vld [tilespmem:$0x30];
	_ =	sdelay $0x4  }
0x3b: {  	v62 =	vshll.u32 v3, $0x1  }
0x3c: {  	v3 =	vand.u32 $0x7, v3;
	v4 =	vand.u32 $0xFFFFFFF0, v62  }
0x3d: {  	v3 =	vor.u32 v3, v4  }
0x3e: {  	v4 =	vperm.xlane v3, v0;
	_ =	sdelay $0x1  }
0x3f: {  	v3 =	vperm.xlane v3, v2;
	v4 =	vadd.s32 v1, v4;
	_ =	sdelay $0x1  }
0x40: {  	v3 =	vadd.s32 v1, v3;
	_ =	sdelay $0x2  }
0x41: {  	[tilespmem:s18], [sflag:$0x1] =	stream.indirect_vreg.gather [hbm4b:s0+s4], $0x80, v4, vm0, $0xb8;
	[tilespmem:$0x5180] =	vst v63  }
0x42: {  	_ = 	snop  }
0x43: {  	[tilespmem:s19], [sflag:$0x1] =	stream.indirect_vreg.gather [hbm4b:s0+s4], $0x80, v3, vm0, $0xb8;
	[tilespmem:$0x5180] =	vst v63  }
0x44: {  	v3 =	vld [tilespmem:$0x40];
	_ =	sdelay $0x4  }
0x45: {  	v63 =	vshll.u32 v3, $0x1  }
0x46: {  	v3 =	vand.u32 $0x7, v3;
	v4 =	vand.u32 $0xFFFFFFF0, v63  }
0x47: {  	v3 =	vor.u32 v3, v4  }
0x48: {  	v4 =	vperm.xlane v3, v0;
	_ =	sdelay $0x1  }
0x49: {  	v3 =	vperm.xlane v3, v2;
	v4 =	vadd.s32 v1, v4;
	_ =	sdelay $0x1  }
0x4a: {  	v3 =	vadd.s32 v1, v3;
	_ =	sdelay $0x2  }
0x4b: {  	[tilespmem:s20], [sflag:$0x1] =	stream.indirect_vreg.gather [hbm4b:s0+s4], $0x80, v4, vm0, $0xb8;
	[tilespmem:$0x5180] =	vst v63  }
0x4c: {  	_ = 	snop  }
0x4d: {  	[tilespmem:s21], [sflag:$0x1] =	stream.indirect_vreg.gather [hbm4b:s0+s4], $0x80, v3, vm0, $0xb8;
	[tilespmem:$0x5180] =	vst v63  }
0x4e: {  	_ = 	snop  }
0x4f: {  	[tilespmem:s23], [sflag:$0x2] =	stream.indirect.gather [hbm4b:s3+s22], $0x1, s11, s22, $0xb8;
	[tilespmem:$0x5180] =	vst v63  }
0x50: {  	_ =	swait.ge [sflag:s24], $0x1000  }
0x51: {  	[sflag:s24] =	ssyncset.done $0x0  }
0x52: {  	[sflag:s24] =	ssyncadd.s32 $0xFFFFF000  }
0x53: {  	_ =	swait.ge [sflag:s24], $0x1000  }
0x54: {  	[sflag:s24] =	ssyncset.done $0x0  }
0x55: {  	[sflag:s24] =	ssyncadd.s32 $0xFFFFF000  }
0x56: {  	_ =	swait.ge [sflag:s24], $0x1000  }
0x57: {  	[sflag:s24] =	ssyncset.done $0x0  }
0x58: {  	[sflag:s24] =	ssyncadd.s32 $0xFFFFF000  }
0x59: {  	_ =	swait.ge [sflag:s24], $0x1000  }
0x5a: {  	[sflag:s24] =	ssyncset.done $0x0  }
0x5b: {  	[sflag:s24] =	ssyncadd.s32 $0xFFFFF000  }
0x5c: {  	_ =	swait.ge [sflag:s24], $0x1000  }
0x5d: {  	[sflag:s24] =	ssyncset.done $0x0  }
0x5e: {  	[sflag:s24] =	ssyncadd.s32 $0xFFFFF000  }
0x5f: {  	_ =	swait.ge [sflag:s25], $0x50  }
0x60: {  	[sflag:s25] =	ssyncset.done $0x0  }
0x61: {  	[sflag:s25] =	ssyncadd.s32 $0xFFFFFFB0  }
0x62: {  	[hbm4b:s6+s4] =	stream.linear.scatter [tilespmem:s12], [sflag:$0x3], $0x5000, $0x38;
	[tilespmem:$0x5180] =	vst v63  }
0x63: {  	_ =	swait.ge [sflag:s10], $0x5000  }
0x64: {  	p0 =	sne.s32 s9, $0x1;
	[sflag:s10] =	ssyncset.done $0x0  }
.Ltmp1:
0x65: {  	[sflag:s10] =	ssyncadd.s32 $0xFFFFB000;
	(pc) =	sbr.rel @p0 .LBB2_2-.Ltmp1, $4  }
0x66: {  	[hbm4b:s7+s4] =	stream.linear.scatter [tilespmem:s23], [sflag:$0x3], $0x50, $0x38;
	[tilespmem:$0x5180] =	vst v63  }
0x67: {  	_ =	swait.ge [sflag:s10], $0x50  }
0x68: {  	[sflag:s10] =	ssyncset.done $0x0  }
0x69: {  	s9 =	sadd.s32 $0xFFFFFFFF, s9;
	[sflag:s10] =	ssyncadd.s32 $0xFFFFFFB0  }
.LBB2_3:
0x6a: {  	_ =	sfence.sel $0x180000  }
0x6b: {  	[bflag:$0x0] =	sbarrier.arrive $0xFFFF  }
0x6c: {  	p0 =	sne.s32 s1, $0x0;
	_ =	strace $0x90000047  }
0x6d: {  	s0 =	sadd.s32 @!p0 $0x100000, s2;
	[bflag:$0x2] =	sbarrier.arrive $0xFFFF  }
0x6e: {  	[sflag:s0] =	ssyncadd.tile.s32 @!p0 $0x1;
	_ =	shalt  }
.Lfunc_end2:
_tile_overlayer_lowered:
.L_overlay_start_2:
0x6f: {  	(tag) =	ssettag $0x2  }
0x70: {  	s0 =	rddreg [dreg:$0x0];
	s2 =	stileid.u32  }
0x71: {  	s1 =	rddreg [dreg:$0x1];
	p0 =	sne.s32 s2, $0x0  }
0x72: {  	s3 =	rddreg [dreg:$0x2];
	[bflag:$0x3] =	sbarrier.arrive $0xFFFF;
	s2 =	simm.s32 @!p0 $0x1C03  }
0x73: {  	[timem:s3], [sflag:s2] =	dma.local @!p0 [hbm:s0], s1  }
0x74: {  	s0 =	simm.s32 @!p0 $0x3  }
0x75: {  	_ =	swait.ge @!p0 [sflag:s0], s1  }
0x76: {  	s1 =	ssub.s32 @!p0 $0x0, s1;
	[sflag:s0] =	ssyncset.done @!p0 $0x0  }
0x77: {  	[sflag:s0] =	ssyncadd.s32 @!p0 s1  }
0x78: {  	[bflag:$0x3] =	sbarrier.arrive $0xFFFF  }
0x79: {  	_ =	shalt  }

</sc_bundles>
